<compile_context>
chip_gen: v7x
topology: tpu7x:2x2x1
jax: 0.10.2.dev20260603
libtpu: 0.0.44.dev20260713+nightly
codegen_flags: <defaults>
</compile_context>

<pallas_src>
import functools

import jax
import jax.numpy as jnp
from jax import lax
from jax.experimental import pallas as pl
from jax.experimental.pallas import tpu as pltpu
from jax.experimental.pallas import tpu_sc as plsc

N, L, HALF = 16, 2048, 64
A = 14
DF = 2 * HALF
R = 21

NW = 32
RES_PER_W = N * L // NW
ROWS_PER_W = RES_PER_W * A


def _build_table2_kernel(rt_ref, at_ref, out_ref):
    rt = rt_ref[...]
    at = at_ref[...]
    out_ref[...] = jnp.concatenate(
        [
            jnp.broadcast_to(rt[:, None, :], (R, A, HALF)),
            jnp.broadcast_to(at[None, :, :], (R, A, HALF)),
        ],
        axis=-1,
    )


def _make_expand_kernel():
    mesh = plsc.VectorSubcoreMesh(core_axis_name="c", subcore_axis_name="s")

    @functools.partial(
        pl.kernel,
        mesh=mesh,
        out_type=jax.ShapeDtypeStruct((N, L * A, DF), jnp.float32),
        compiler_params=pltpu.CompilerParams(use_tc_tiling_on_sc=False),
        scratch_types=[
            pltpu.VMEM((RES_PER_W,), jnp.int32),
            pltpu.VMEM((R * A, DF), jnp.float32),
            pltpu.SemaphoreType.DMA,
        ],
    )
    def expand_kernel(aa_hbm, table_hbm, out_hbm, aa_v, table_v, osem):
        wid = lax.axis_index("s") * 2 + lax.axis_index("c")
        n = wid // 2
        off = (wid % 2) * ROWS_PER_W
        pltpu.sync_copy(table_hbm, table_v)
        pltpu.sync_copy(aa_hbm.at[n, pl.ds((wid % 2) * RES_PER_W, RES_PER_W)],
                        aa_v)

        def issue_group(g, carry):
            rows16 = aa_v[pl.ds(g * 16, 16)]
            base = off + g * 16 * A
            for k in range(16):
                row = rows16[k]
                pltpu.async_copy(
                    table_v.at[pl.ds(row * A, A)],
                    out_hbm.at[n, pl.ds(base + k * A, A)],
                    osem)
            return carry

        lax.fori_loop(0, RES_PER_W // 16, issue_group, 0)

        def drain(r, carry):
            pltpu.make_async_copy(
                table_v.at[pl.ds(0, A)],
                out_hbm.at[n, pl.ds(off + r * A, A)],
                osem).wait()
            return carry

        lax.fori_loop(0, RES_PER_W, drain, 0)

    return expand_kernel


_EXPAND = _make_expand_kernel()


def kernel(aa, pos14, atom_mask, residual_table, atom_table):
    table3 = pl.pallas_call(
        _build_table2_kernel,
        out_shape=jax.ShapeDtypeStruct((R, A, DF), jnp.float32),
    )(residual_table, atom_table)
    table2 = table3.reshape(R * A, DF)
    feats = _EXPAND(aa.astype(jnp.int32), table2)
    coors = jnp.stack([pos14[:, :, :, d].reshape(N, L * A)
                       for d in range(3)], axis=-1)
    mask = atom_mask.reshape(N, L * A)
    return (feats, coors, mask)

# --- scband reference (transcript-rebuilt; emitter-appended) ---
"""Pipeline reference for scband-atom-encoder-57887569215659 (READ-ONLY COPY).

The authoritative reference and input builder live on the scoring server;
editing this copy changes nothing except your own understanding.
"""

import jax, jax.numpy as jnp
import numpy as np

N, L, FEAT_DIM = 16, 2048, 128
HALF = FEAT_DIM // 2


def setup_inputs(seed: int = 0) -> dict:
    key = jax.random.key(seed)
    k1, k2, k3, k4 = jax.random.split(key, 4)
    aa = jax.random.randint(k1, (N, L), 0, 21, dtype=jnp.int64 if jax.config.jax_enable_x64 else jnp.int32)
    pos14 = jax.random.normal(k2, (N, L, 14, 3), dtype=jnp.float32)
    atom_mask = jnp.ones((N, L, 14), dtype=bool)
    residual_table = jax.random.normal(k3, (21, HALF), dtype=jnp.float32) * 0.02
    atom_table = jax.random.normal(k4, (14, HALF), dtype=jnp.float32) * 0.02
    return {
        'aa': aa,
        'pos14': pos14,
        'atom_mask': atom_mask,
        'residual_table': residual_table,
        'atom_table': atom_table,
    }


def reference(aa, pos14, atom_mask, residual_table, atom_table):
    n, l = aa.shape
    # expand residue ids to per-atom ids: (N, L) -> (N, L*14)
    residual_idx = jnp.broadcast_to(aa[:, :, None], (n, l, 14)).reshape(n, -1)
    coors = pos14.reshape(n, -1, 3)
    mask = atom_mask.reshape(n, -1)
    atom_idx = jnp.broadcast_to(jnp.arange(14, dtype=aa.dtype), (n, l, 14)).reshape(n, -1)
    # embedding gathers (SparseCore-friendly jnp.take)
    residual_feat = jnp.take(residual_table, residual_idx, axis=0)
    atom_feat = jnp.take(atom_table, atom_idx, axis=0)
    feats = jnp.concatenate([residual_feat, atom_feat], axis=-1)
    # final_linear is Identity when use_chain_feat=False
    return (feats, coors, mask)

if __name__ == "__main__":
    import jax
    _d = setup_inputs()
    print(jax.jit(kernel)(*tuple(_d.values())))

</pallas_src>

<mosaic_0001>
#map = affine_map<(d0, d1) -> (0, 0)>
#map1 = affine_map<(d0, d1) -> (0, 0, 0)>
module attributes {stable_mosaic.version = 14 : i64} {
  func.func @expand_kernel(%arg0: i32, %arg1: i32, %arg2: memref<16x2048xi32, #tpu.memory_space<hbm>>, %arg3: memref<294x128xf32, #tpu.memory_space<hbm>>, %arg4: memref<16x28672x128xf32, #tpu.memory_space<hbm>>, %arg5: memref<1024xi32, #tpu.memory_space<vmem>>, %arg6: memref<294x128xf32, #tpu.memory_space<vmem>>, %arg7: memref<!tpu.dma_semaphore, #tpu.memory_space<semaphore_mem>>) attributes {dimension_semantics = [#tpu.dimension_semantics<core_parallel>, #tpu.dimension_semantics<subcore_parallel>], iteration_bounds = array<i64: 2, 16>, scalar_prefetch = 0 : i64, scratch_operands = 3 : i64, tpu.core_type = #tpu.core_type<sc_vector_subcore>, window_params = [{transform_indices = #map}, {transform_indices = #map}, {transform_indices = #map1}]} {
    %mul3A = arith.constant 2 : i32
    %mul3A_0 = arith.muli %arg1, %mul3A : i32
    %add3A = arith.addi %mul3A_0, %arg0 : i32
    %jit3A = arith.constant 2 : i32
    %div3A = arith.divsi %add3A, %jit3A : i32
    %sign3A = arith.constant 0 : i32
    %sign3A_1 = arith.cmpi sgt, %add3A, %sign3A : i32
    %sign3A_2 = arith.extui %sign3A_1 : i1 to i32
    %sign3A_3 = arith.constant 0 : i32
    %sign3A_4 = arith.cmpi slt, %add3A, %sign3A_3 : i32
    %sign3A_5 = arith.extui %sign3A_4 : i1 to i32
    %sign3A_6 = arith.subi %sign3A_2, %sign3A_5 : i32
    %sign3A_7 = arith.constant 0 : i32
    %sign3A_8 = arith.cmpi sgt, %jit3A, %sign3A_7 : i32
    %sign3A_9 = arith.extui %sign3A_8 : i1 to i32
    %sign3A_10 = arith.constant 0 : i32
    %sign3A_11 = arith.cmpi slt, %jit3A, %sign3A_10 : i32
    %sign3A_12 = arith.extui %sign3A_11 : i1 to i32
    %sign3A_13 = arith.subi %sign3A_9, %sign3A_12 : i32
    %ne3A = arith.cmpi ne, %sign3A_6, %sign3A_13 : i32
    %rem3A = arith.remsi %add3A, %jit3A : i32
    %ne3A_14 = arith.constant 0 : i32
    %ne3A_15 = arith.cmpi ne, %rem3A, %ne3A_14 : i32
    %and3A = arith.andi %ne3A, %ne3A_15 : i1
    %sub3A = arith.constant 1 : i32
    %sub3A_16 = arith.subi %div3A, %sub3A : i32
    %select_n3A = arith.select %and3A, %sub3A_16, %div3A : i32
    %jit3A_17 = arith.constant 2 : i32
    %eq3A = arith.constant 0 : i32
    %eq3A_18 = arith.cmpi eq, %jit3A_17, %eq3A : i32
    %jit3A_19 = arith.constant 1 : i32
    %select_n3A_20 = arith.select %eq3A_18, %jit3A_19, %jit3A_17 : i32
    %rem3A_21 = arith.remsi %add3A, %select_n3A_20 : i32
    %ne3A_22 = arith.constant 0 : i32
    %ne3A_23 = arith.cmpi ne, %rem3A_21, %ne3A_22 : i32
    %lt3A = arith.constant 0 : i32
    %lt3A_24 = arith.cmpi slt, %rem3A_21, %lt3A : i32
    %lt3A_25 = arith.constant 0 : i32
    %lt3A_26 = arith.cmpi slt, %select_n3A_20, %lt3A_25 : i32
    %ne3A_27 = arith.xori %lt3A_24, %lt3A_26 : i1
    %and3A_28 = arith.andi %ne3A_27, %ne3A_23 : i1
    %add3A_29 = arith.addi %rem3A_21, %select_n3A_20 : i32
    %select_n3A_30 = arith.select %and3A_28, %add3A_29, %rem3A_21 : i32
    %mul3A_31 = arith.constant 14336 : i32
    %mul3A_32 = arith.muli %select_n3A_30, %mul3A_31 : i32
    "tpu.region"() ({
      %run_scoped3A = tpu.sem_alloc : memref<!tpu.dma_semaphore, #tpu.memory_space<semaphore_mem>>
      tpu.enqueue_dma source(%arg3 : memref<294x128xf32, #tpu.memory_space<hbm>>) target(%arg6 : memref<294x128xf32, #tpu.memory_space<vmem>>) target_semaphore(%run_scoped3A : memref<!tpu.dma_semaphore, #tpu.memory_space<semaphore_mem>>)
      tpu.wait_dma2 semaphore(%run_scoped3A : memref<!tpu.dma_semaphore, #tpu.memory_space<semaphore_mem>>) src(%arg3 : memref<294x128xf32, #tpu.memory_space<hbm>>) dst(%arg6 : memref<294x128xf32, #tpu.memory_space<vmem>>)
      tpu.yield
    }) : () -> ()
    %jit3A_33 = arith.constant 2 : i32
    %eq3A_34 = arith.constant 0 : i32
    %eq3A_35 = arith.cmpi eq, %jit3A_33, %eq3A_34 : i32
    %jit3A_36 = arith.constant 1 : i32
    %select_n3A_37 = arith.select %eq3A_35, %jit3A_36, %jit3A_33 : i32
    %rem3A_38 = arith.remsi %add3A, %select_n3A_37 : i32
    %ne3A_39 = arith.constant 0 : i32
    %ne3A_40 = arith.cmpi ne, %rem3A_38, %ne3A_39 : i32
    %lt3A_41 = arith.constant 0 : i32
    %lt3A_42 = arith.cmpi slt, %rem3A_38, %lt3A_41 : i32
    %lt3A_43 = arith.constant 0 : i32
    %lt3A_44 = arith.cmpi slt, %select_n3A_37, %lt3A_43 : i32
    %ne3A_45 = arith.xori %lt3A_42, %lt3A_44 : i1
    %and3A_46 = arith.andi %ne3A_45, %ne3A_40 : i1
    %add3A_47 = arith.addi %rem3A_38, %select_n3A_37 : i32
    %select_n3A_48 = arith.select %and3A_46, %add3A_47, %rem3A_38 : i32
    %mul3A_49 = arith.constant 1024 : i32
    %mul3A_50 = arith.muli %select_n3A_48, %mul3A_49 : i32
    "tpu.region"() ({
      %run_scoped3A = tpu.sem_alloc : memref<!tpu.dma_semaphore, #tpu.memory_space<semaphore_mem>>
      %dma_start3A = tpu.memref_slice %arg2[%select_n3A, %mul3A_50] : memref<16x2048xi32, #tpu.memory_space<hbm>> -> memref<1x1024xi32, #tpu.memory_space<hbm>>
      %dma_start3A_62 = tpu.memref_squeeze %dma_start3A : memref<1x1024xi32, #tpu.memory_space<hbm>> -> memref<1024xi32, #tpu.memory_space<hbm>>
      %dma_start3A_63 = tpu.memref_slice %arg2[%select_n3A, %mul3A_50] : memref<16x2048xi32, #tpu.memory_space<hbm>> -> memref<1x1024xi32, #tpu.memory_space<hbm>>
      %dma_start3A_64 = tpu.memref_squeeze %dma_start3A_63 : memref<1x1024xi32, #tpu.memory_space<hbm>> -> memref<1024xi32, #tpu.memory_space<hbm>>
      tpu.enqueue_dma source(%dma_start3A_64 : memref<1024xi32, #tpu.memory_space<hbm>>) target(%arg5 : memref<1024xi32, #tpu.memory_space<vmem>>) target_semaphore(%run_scoped3A : memref<!tpu.dma_semaphore, #tpu.memory_space<semaphore_mem>>)
      %dma_wait3A = tpu.memref_slice %arg2[%select_n3A, %mul3A_50] : memref<16x2048xi32, #tpu.memory_space<hbm>> -> memref<1x1024xi32, #tpu.memory_space<hbm>>
      %dma_wait3A_65 = tpu.memref_squeeze %dma_wait3A : memref<1x1024xi32, #tpu.memory_space<hbm>> -> memref<1024xi32, #tpu.memory_space<hbm>>
      %dma_wait3A_66 = tpu.memref_slice %arg2[%select_n3A, %mul3A_50] : memref<16x2048xi32, #tpu.memory_space<hbm>> -> memref<1x1024xi32, #tpu.memory_space<hbm>>
      %dma_wait3A_67 = tpu.memref_squeeze %dma_wait3A_66 : memref<1x1024xi32, #tpu.memory_space<hbm>> -> memref<1024xi32, #tpu.memory_space<hbm>>
      tpu.wait_dma2 semaphore(%run_scoped3A : memref<!tpu.dma_semaphore, #tpu.memory_space<semaphore_mem>>) src(%dma_wait3A_67 : memref<1024xi32, #tpu.memory_space<hbm>>) dst(%arg5 : memref<1024xi32, #tpu.memory_space<vmem>>)
      tpu.yield
    }) : () -> ()
    %scan3A = arith.constant 0 : i32
    %scan3A_51 = arith.constant 0 : i32
    %scan3A_52 = arith.constant 64 : i32
    %scan3A_53 = arith.addi %scan3A_51, %scan3A_52 : i32
    %scan3A_54 = arith.constant 1 : i32
    scf.for %scan3A_62 = %scan3A_51 to %scan3A_53 step %scan3A_54  : i32 {
      %mul3A_63 = arith.constant 16 : i32
      %mul3A_64 = arith.muli %scan3A_62, %mul3A_63 : i32
      %get3A = arith.index_cast %mul3A_64 : i32 to index
      %get3A_65 = tpu.vector_load %arg5[%get3A] {strides = array<i32>} : memref<1024xi32, #tpu.memory_space<vmem>>, vector<16xi32>,
      %get3A_66 = vector.shape_cast %get3A_65 : vector<16xi32> to vector<16xi32>
      %mul3A_67 = arith.constant 16 : i32
      %mul3A_68 = arith.muli %scan3A_62, %mul3A_67 : i32
      %mul3A_69 = arith.constant 14 : i32
      %mul3A_70 = arith.muli %mul3A_68, %mul3A_69 : i32
      %add3A_71 = arith.addi %mul3A_32, %mul3A_70 : i32
      %slice3A = vector.extract_strided_slice %get3A_66 {offsets = [0], sizes = [1], strides = [1]} : vector<16xi32> to vector<1xi32>
      %squeeze3A = vector.extract %slice3A[0] : i32 from vector<1xi32>
      %mul3A_72 = arith.constant 14 : i32
      %mul3A_73 = arith.muli %squeeze3A, %mul3A_72 : i32
      %add3A_74 = arith.constant 0 : i32
      %add3A_75 = arith.addi %add3A_71, %add3A_74 : i32
      %dma_start3A = arith.constant 0 : i32
      %dma_start3A_76 = tpu.memref_slice %arg6[%mul3A_73, %dma_start3A] : memref<294x128xf32, #tpu.memory_space<vmem>> -> memref<14x128xf32, #tpu.memory_space<vmem>>
      %dma_start3A_77 = arith.constant 0 : i32
      %dma_start3A_78 = tpu.memref_slice %arg4[%select_n3A, %add3A_75, %dma_start3A_77] : memref<16x28672x128xf32, #tpu.memory_space<hbm>> -> memref<1x14x128xf32, #tpu.memory_space<hbm>>
      %dma_start3A_79 = tpu.memref_squeeze %dma_start3A_78 : memref<1x14x128xf32, #tpu.memory_space<hbm>> -> memref<14x128xf32, #tpu.memory_space<hbm>>
      %dma_start3A_80 = arith.constant 0 : i32
      %dma_start3A_81 = tpu.memref_slice %arg4[%select_n3A, %add3A_75, %dma_start3A_80] : memref<16x28672x128xf32, #tpu.memory_space<hbm>> -> memref<1x14x128xf32, #tpu.memory_space<hbm>>
      %dma_start3A_82 = tpu.memref_squeeze %dma_start3A_81 : memref<1x14x128xf32, #tpu.memory_space<hbm>> -> memref<14x128xf32, #tpu.memory_space<hbm>>
      %dma_start3A_83 = arith.constant 0 : i32
      %dma_start3A_84 = tpu.memref_slice %arg6[%mul3A_73, %dma_start3A_83] : memref<294x128xf32, #tpu.memory_space<vmem>> -> memref<14x128xf32, #tpu.memory_space<vmem>>
      tpu.enqueue_dma source(%dma_start3A_84 : memref<14x128xf32, #tpu.memory_space<vmem>>) target(%dma_start3A_82 : memref<14x128xf32, #tpu.memory_space<hbm>>) target_semaphore(%arg7 : memref<!tpu.dma_semaphore, #tpu.memory_space<semaphore_mem>>)
      %slice3A_85 = vector.extract_strided_slice %get3A_66 {offsets = [1], sizes = [1], strides = [1]} : vector<16xi32> to vector<1xi32>
      %squeeze3A_86 = vector.extract %slice3A_85[0] : i32 from vector<1xi32>
      %mul3A_87 = arith.constant 14 : i32
      %mul3A_88 = arith.muli %squeeze3A_86, %mul3A_87 : i32
      %add3A_89 = arith.constant 14 : i32
      %add3A_90 = arith.addi %add3A_71, %add3A_89 : i32
      %dma_start3A_91 = arith.constant 0 : i32
      %dma_start3A_92 = tpu.memref_slice %arg6[%mul3A_88, %dma_start3A_91] : memref<294x128xf32, #tpu.memory_space<vmem>> -> memref<14x128xf32, #tpu.memory_space<vmem>>
      %dma_start3A_93 = arith.constant 0 : i32
      %dma_start3A_94 = tpu.memref_slice %arg4[%select_n3A, %add3A_90, %dma_start3A_93] : memref<16x28672x128xf32, #tpu.memory_space<hbm>> -> memref<1x14x128xf32, #tpu.memory_space<hbm>>
      %dma_start3A_95 = tpu.memref_squeeze %dma_start3A_94 : memref<1x14x128xf32, #tpu.memory_space<hbm>> -> memref<14x128xf32, #tpu.memory_space<hbm>>
      %dma_start3A_96 = arith.constant 0 : i32
      %dma_start3A_97 = tpu.memref_slice %arg4[%select_n3A, %add3A_90, %dma_start3A_96] : memref<16x28672x128xf32, #tpu.memory_space<hbm>> -> memref<1x14x128xf32, #tpu.memory_space<hbm>>
      %dma_start3A_98 = tpu.memref_squeeze %dma_start3A_97 : memref<1x14x128xf32, #tpu.memory_space<hbm>> -> memref<14x128xf32, #tpu.memory_space<hbm>>
      %dma_start3A_99 = arith.constant 0 : i32
      %dma_start3A_100 = tpu.memref_slice %arg6[%mul3A_88, %dma_start3A_99] : memref<294x128xf32, #tpu.memory_space<vmem>> -> memref<14x128xf32, #tpu.memory_space<vmem>>
      tpu.enqueue_dma source(%dma_start3A_100 : memref<14x128xf32, #tpu.memory_space<vmem>>) target(%dma_start3A_98 : memref<14x128xf32, #tpu.memory_space<hbm>>) target_semaphore(%arg7 : memref<!tpu.dma_semaphore, #tpu.memory_space<semaphore_mem>>)
      %slice3A_101 = vector.extract_strided_slice %get3A_66 {offsets = [2], sizes = [1], strides = [1]} : vector<16xi32> to vector<1xi32>
      %squeeze3A_102 = vector.extract %slice3A_101[0] : i32 from vector<1xi32>
      %mul3A_103 = arith.constant 14 : i32
      %mul3A_104 = arith.muli %squeeze3A_102, %mul3A_103 : i32
      %add3A_105 = arith.constant 28 : i32
      %add3A_106 = arith.addi %add3A_71, %add3A_105 : i32
      %dma_start3A_107 = arith.constant 0 : i32
      %dma_start3A_108 = tpu.memref_slice %arg6[%mul3A_104, %dma_start3A_107] : memref<294x128xf32, #tpu.memory_space<vmem>> -> memref<14x128xf32, #tpu.memory_space<vmem>>
      %dma_start3A_109 = arith.constant 0 : i32
      %dma_start3A_110 = tpu.memref_slice %arg4[%select_n3A, %add3A_106, %dma_start3A_109] : memref<16x28672x128xf32, #tpu.memory_space<hbm>> -> memref<1x14x128xf32, #tpu.memory_space<hbm>>
      %dma_start3A_111 = tpu.memref_squeeze %dma_start3A_110 : memref<1x14x128xf32, #tpu.memory_space<hbm>> -> memref<14x128xf32, #tpu.memory_space<hbm>>
      %dma_start3A_112 = arith.constant 0 : i32
      %dma_start3A_113 = tpu.memref_slice %arg4[%select_n3A, %add3A_106, %dma_start3A_112] : memref<16x28672x128xf32, #tpu.memory_space<hbm>> -> memref<1x14x128xf32, #tpu.memory_space<hbm>>
      %dma_start3A_114 = tpu.memref_squeeze %dma_start3A_113 : memref<1x14x128xf32, #tpu.memory_space<hbm>> -> memref<14x128xf32, #tpu.memory_space<hbm>>
      %dma_start3A_115 = arith.constant 0 : i32
      %dma_start3A_116 = tpu.memref_slice %arg6[%mul3A_104, %dma_start3A_115] : memref<294x128xf32, #tpu.memory_space<vmem>> -> memref<14x128xf32, #tpu.memory_space<vmem>>
      tpu.enqueue_dma source(%dma_start3A_116 : memref<14x128xf32, #tpu.memory_space<vmem>>) target(%dma_start3A_114 : memref<14x128xf32, #tpu.memory_space<hbm>>) target_semaphore(%arg7 : memref<!tpu.dma_semaphore, #tpu.memory_space<semaphore_mem>>)
      %slice3A_117 = vector.extract_strided_slice %get3A_66 {offsets = [3], sizes = [1], strides = [1]} : vector<16xi32> to vector<1xi32>
      %squeeze3A_118 = vector.extract %slice3A_117[0] : i32 from vector<1xi32>
      %mul3A_119 = arith.constant 14 : i32
      %mul3A_120 = arith.muli %squeeze3A_118, %mul3A_119 : i32
      %add3A_121 = arith.constant 42 : i32
      %add3A_122 = arith.addi %add3A_71, %add3A_121 : i32
      %dma_start3A_123 = arith.constant 0 : i32
      %dma_start3A_124 = tpu.memref_slice %arg6[%mul3A_120, %dma_start3A_123] : memref<294x128xf32, #tpu.memory_space<vmem>> -> memref<14x128xf32, #tpu.memory_space<vmem>>
      %dma_start3A_125 = arith.constant 0 : i32
      %dma_start3A_126 = tpu.memref_slice %arg4[%select_n3A, %add3A_122, %dma_start3A_125] : memref<16x28672x128xf32, #tpu.memory_space<hbm>> -> memref<1x14x128xf32, #tpu.memory_space<hbm>>
      %dma_start3A_127 = tpu.memref_squeeze %dma_start3A_126 : memref<1x14x128xf32, #tpu.memory_space<hbm>> -> memref<14x128xf32, #tpu.memory_space<hbm>>
      %dma_start3A_128 = arith.constant 0 : i32
      %dma_start3A_129 = tpu.memref_slice %arg4[%select_n3A, %add3A_122, %dma_start3A_128] : memref<16x28672x128xf32, #tpu.memory_space<hbm>> -> memref<1x14x128xf32, #tpu.memory_space<hbm>>
      %dma_start3A_130 = tpu.memref_squeeze %dma_start3A_129 : memref<1x14x128xf32, #tpu.memory_space<hbm>> -> memref<14x128xf32, #tpu.memory_space<hbm>>
      %dma_start3A_131 = arith.constant 0 : i32
      %dma_start3A_132 = tpu.memref_slice %arg6[%mul3A_120, %dma_start3A_131] : memref<294x128xf32, #tpu.memory_space<vmem>> -> memref<14x128xf32, #tpu.memory_space<vmem>>
      tpu.enqueue_dma source(%dma_start3A_132 : memref<14x128xf32, #tpu.memory_space<vmem>>) target(%dma_start3A_130 : memref<14x128xf32, #tpu.memory_space<hbm>>) target_semaphore(%arg7 : memref<!tpu.dma_semaphore, #tpu.memory_space<semaphore_mem>>)
      %slice3A_133 = vector.extract_strided_slice %get3A_66 {offsets = [4], sizes = [1], strides = [1]} : vector<16xi32> to vector<1xi32>
      %squeeze3A_134 = vector.extract %slice3A_133[0] : i32 from vector<1xi32>
      %mul3A_135 = arith.constant 14 : i32
      %mul3A_136 = arith.muli %squeeze3A_134, %mul3A_135 : i32
      %add3A_137 = arith.constant 56 : i32
      %add3A_138 = arith.addi %add3A_71, %add3A_137 : i32
      %dma_start3A_139 = arith.constant 0 : i32
      %dma_start3A_140 = tpu.memref_slice %arg6[%mul3A_136, %dma_start3A_139] : memref<294x128xf32, #tpu.memory_space<vmem>> -> memref<14x128xf32, #tpu.memory_space<vmem>>
      %dma_start3A_141 = arith.constant 0 : i32
      %dma_start3A_142 = tpu.memref_slice %arg4[%select_n3A, %add3A_138, %dma_start3A_141] : memref<16x28672x128xf32, #tpu.memory_space<hbm>> -> memref<1x14x128xf32, #tpu.memory_space<hbm>>
      %dma_start3A_143 = tpu.memref_squeeze %dma_start3A_142 : memref<1x14x128xf32, #tpu.memory_space<hbm>> -> memref<14x128xf32, #tpu.memory_space<hbm>>
      %dma_start3A_144 = arith.constant 0 : i32
      %dma_start3A_145 = tpu.memref_slice %arg4[%select_n3A, %add3A_138, %dma_start3A_144] : memref<16x28672x128xf32, #tpu.memory_space<hbm>> -> memref<1x14x128xf32, #tpu.memory_space<hbm>>
      %dma_start3A_146 = tpu.memref_squeeze %dma_start3A_145 : memref<1x14x128xf32, #tpu.memory_space<hbm>> -> memref<14x128xf32, #tpu.memory_space<hbm>>
      %dma_start3A_147 = arith.constant 0 : i32
      %dma_start3A_148 = tpu.memref_slice %arg6[%mul3A_136, %dma_start3A_147] : memref<294x128xf32, #tpu.memory_space<vmem>> -> memref<14x128xf32, #tpu.memory_space<vmem>>
      tpu.enqueue_dma source(%dma_start3A_148 : memref<14x128xf32, #tpu.memory_space<vmem>>) target(%dma_start3A_146 : memref<14x128xf32, #tpu.memory_space<hbm>>) target_semaphore(%arg7 : memref<!tpu.dma_semaphore, #tpu.memory_space<semaphore_mem>>)
      %slice3A_149 = vector.extract_strided_slice %get3A_66 {offsets = [5], sizes = [1], strides = [1]} : vector<16xi32> to vector<1xi32>
      %squeeze3A_150 = vector.extract %slice3A_149[0] : i32 from vector<1xi32>
      %mul3A_151 = arith.constant 14 : i32
      %mul3A_152 = arith.muli %squeeze3A_150, %mul3A_151 : i32
      %add3A_153 = arith.constant 70 : i32
      %add3A_154 = arith.addi %add3A_71, %add3A_153 : i32
      %dma_start3A_155 = arith.constant 0 : i32
      %dma_start3A_156 = tpu.memref_slice %arg6[%mul3A_152, %dma_start3A_155] : memref<294x128xf32, #tpu.memory_space<vmem>> -> memref<14x128xf32, #tpu.memory_space<vmem>>
      %dma_start3A_157 = arith.constant 0 : i32
      %dma_start3A_158 = tpu.memref_slice %arg4[%select_n3A, %add3A_154, %dma_start3A_157] : memref<16x28672x128xf32, #tpu.memory_space<hbm>> -> memref<1x14x128xf32, #tpu.memory_space<hbm>>
      %dma_start3A_159 = tpu.memref_squeeze %dma_start3A_158 : memref<1x14x128xf32, #tpu.memory_space<hbm>> -> memref<14x128xf32, #tpu.memory_space<hbm>>
      %dma_start3A_160 = arith.constant 0 : i32
      %dma_start3A_161 = tpu.memref_slice %arg4[%select_n3A, %add3A_154, %dma_start3A_160] : memref<16x28672x128xf32, #tpu.memory_space<hbm>> -> memref<1x14x128xf32, #tpu.memory_space<hbm>>
      %dma_start3A_162 = tpu.memref_squeeze %dma_start3A_161 : memref<1x14x128xf32, #tpu.memory_space<hbm>> -> memref<14x128xf32, #tpu.memory_space<hbm>>
      %dma_start3A_163 = arith.constant 0 : i32
      %dma_start3A_164 = tpu.memref_slice %arg6[%mul3A_152, %dma_start3A_163] : memref<294x128xf32, #tpu.memory_space<vmem>> -> memref<14x128xf32, #tpu.memory_space<vmem>>
      tpu.enqueue_dma source(%dma_start3A_164 : memref<14x128xf32, #tpu.memory_space<vmem>>) target(%dma_start3A_162 : memref<14x128xf32, #tpu.memory_space<hbm>>) target_semaphore(%arg7 : memref<!tpu.dma_semaphore, #tpu.memory_space<semaphore_mem>>)
      %slice3A_165 = vector.extract_strided_slice %get3A_66 {offsets = [6], sizes = [1], strides = [1]} : vector<16xi32> to vector<1xi32>
      %squeeze3A_166 = vector.extract %slice3A_165[0] : i32 from vector<1xi32>
      %mul3A_167 = arith.constant 14 : i32
      %mul3A_168 = arith.muli %squeeze3A_166, %mul3A_167 : i32
      %add3A_169 = arith.constant 84 : i32
      %add3A_170 = arith.addi %add3A_71, %add3A_169 : i32
      %dma_start3A_171 = arith.constant 0 : i32
      %dma_start3A_172 = tpu.memref_slice %arg6[%mul3A_168, %dma_start3A_171] : memref<294x128xf32, #tpu.memory_space<vmem>> -> memref<14x128xf32, #tpu.memory_space<vmem>>
      %dma_start3A_173 = arith.constant 0 : i32
      %dma_start3A_174 = tpu.memref_slice %arg4[%select_n3A, %add3A_170, %dma_start3A_173] : memref<16x28672x128xf32, #tpu.memory_space<hbm>> -> memref<1x14x128xf32, #tpu.memory_space<hbm>>
      %dma_start3A_175 = tpu.memref_squeeze %dma_start3A_174 : memref<1x14x128xf32, #tpu.memory_space<hbm>> -> memref<14x128xf32, #tpu.memory_space<hbm>>
      %dma_start3A_176 = arith.constant 0 : i32
      %dma_start3A_177 = tpu.memref_slice %arg4[%select_n3A, %add3A_170, %dma_start3A_176] : memref<16x28672x128xf32, #tpu.memory_space<hbm>> -> memref<1x14x128xf32, #tpu.memory_space<hbm>>
      %dma_start3A_178 = tpu.memref_squeeze %dma_start3A_177 : memref<1x14x128xf32, #tpu.memory_space<hbm>> -> memref<14x128xf32, #tpu.memory_space<hbm>>
      %dma_start3A_179 = arith.constant 0 : i32
      %dma_start3A_180 = tpu.memref_slice %arg6[%mul3A_168, %dma_start3A_179] : memref<294x128xf32, #tpu.memory_space<vmem>> -> memref<14x128xf32, #tpu.memory_space<vmem>>
      tpu.enqueue_dma source(%dma_start3A_180 : memref<14x128xf32, #tpu.memory_space<vmem>>) target(%dma_start3A_178 : memref<14x128xf32, #tpu.memory_space<hbm>>) target_semaphore(%arg7 : memref<!tpu.dma_semaphore, #tpu.memory_space<semaphore_mem>>)
      %slice3A_181 = vector.extract_strided_slice %get3A_66 {offsets = [7], sizes = [1], strides = [1]} : vector<16xi32> to vector<1xi32>
      %squeeze3A_182 = vector.extract %slice3A_181[0] : i32 from vector<1xi32>
      %mul3A_183 = arith.constant 14 : i32
      %mul3A_184 = arith.muli %squeeze3A_182, %mul3A_183 : i32
      %add3A_185 = arith.constant 98 : i32
      %add3A_186 = arith.addi %add3A_71, %add3A_185 : i32
      %dma_start3A_187 = arith.constant 0 : i32
      %dma_start3A_188 = tpu.memref_slice %arg6[%mul3A_184, %dma_start3A_187] : memref<294x128xf32, #tpu.memory_space<vmem>> -> memref<14x128xf32, #tpu.memory_space<vmem>>
      %dma_start3A_189 = arith.constant 0 : i32
      %dma_start3A_190 = tpu.memref_slice %arg4[%select_n3A, %add3A_186, %dma_start3A_189] : memref<16x28672x128xf32, #tpu.memory_space<hbm>> -> memref<1x14x128xf32, #tpu.memory_space<hbm>>
      %dma_start3A_191 = tpu.memref_squeeze %dma_start3A_190 : memref<1x14x128xf32, #tpu.memory_space<hbm>> -> memref<14x128xf32, #tpu.memory_space<hbm>>
      %dma_start3A_192 = arith.constant 0 : i32
      %dma_start3A_193 = tpu.memref_slice %arg4[%select_n3A, %add3A_186, %dma_start3A_192] : memref<16x28672x128xf32, #tpu.memory_space<hbm>> -> memref<1x14x128xf32, #tpu.memory_space<hbm>>
      %dma_start3A_194 = tpu.memref_squeeze %dma_start3A_193 : memref<1x14x128xf32, #tpu.memory_space<hbm>> -> memref<14x128xf32, #tpu.memory_space<hbm>>
      %dma_start3A_195 = arith.constant 0 : i32
      %dma_start3A_196 = tpu.memref_slice %arg6[%mul3A_184, %dma_start3A_195] : memref<294x128xf32, #tpu.memory_space<vmem>> -> memref<14x128xf32, #tpu.memory_space<vmem>>
      tpu.enqueue_dma source(%dma_start3A_196 : memref<14x128xf32, #tpu.memory_space<vmem>>) target(%dma_start3A_194 : memref<14x128xf32, #tpu.memory_space<hbm>>) target_semaphore(%arg7 : memref<!tpu.dma_semaphore, #tpu.memory_space<semaphore_mem>>)
      %slice3A_197 = vector.extract_strided_slice %get3A_66 {offsets = [8], sizes = [1], strides = [1]} : vector<16xi32> to vector<1xi32>
      %squeeze3A_198 = vector.extract %slice3A_197[0] : i32 from vector<1xi32>
      %mul3A_199 = arith.constant 14 : i32
      %mul3A_200 = arith.muli %squeeze3A_198, %mul3A_199 : i32
      %add3A_201 = arith.constant 112 : i32
      %add3A_202 = arith.addi %add3A_71, %add3A_201 : i32
      %dma_start3A_203 = arith.constant 0 : i32
      %dma_start3A_204 = tpu.memref_slice %arg6[%mul3A_200, %dma_start3A_203] : memref<294x128xf32, #tpu.memory_space<vmem>> -> memref<14x128xf32, #tpu.memory_space<vmem>>
      %dma_start3A_205 = arith.constant 0 : i32
      %dma_start3A_206 = tpu.memref_slice %arg4[%select_n3A, %add3A_202, %dma_start3A_205] : memref<16x28672x128xf32, #tpu.memory_space<hbm>> -> memref<1x14x128xf32, #tpu.memory_space<hbm>>
      %dma_start3A_207 = tpu.memref_squeeze %dma_start3A_206 : memref<1x14x128xf32, #tpu.memory_space<hbm>> -> memref<14x128xf32, #tpu.memory_space<hbm>>
      %dma_start3A_208 = arith.constant 0 : i32
      %dma_start3A_209 = tpu.memref_slice %arg4[%select_n3A, %add3A_202, %dma_start3A_208] : memref<16x28672x128xf32, #tpu.memory_space<hbm>> -> memref<1x14x128xf32, #tpu.memory_space<hbm>>
      %dma_start3A_210 = tpu.memref_squeeze %dma_start3A_209 : memref<1x14x128xf32, #tpu.memory_space<hbm>> -> memref<14x128xf32, #tpu.memory_space<hbm>>
      %dma_start3A_211 = arith.constant 0 : i32
      %dma_start3A_212 = tpu.memref_slice %arg6[%mul3A_200, %dma_start3A_211] : memref<294x128xf32, #tpu.memory_space<vmem>> -> memref<14x128xf32, #tpu.memory_space<vmem>>
      tpu.enqueue_dma source(%dma_start3A_212 : memref<14x128xf32, #tpu.memory_space<vmem>>) target(%dma_start3A_210 : memref<14x128xf32, #tpu.memory_space<hbm>>) target_semaphore(%arg7 : memref<!tpu.dma_semaphore, #tpu.memory_space<semaphore_mem>>)
      %slice3A_213 = vector.extract_strided_slice %get3A_66 {offsets = [9], sizes = [1], strides = [1]} : vector<16xi32> to vector<1xi32>
      %squeeze3A_214 = vector.extract %slice3A_213[0] : i32 from vector<1xi32>
      %mul3A_215 = arith.constant 14 : i32
      %mul3A_216 = arith.muli %squeeze3A_214, %mul3A_215 : i32
      %add3A_217 = arith.constant 126 : i32
      %add3A_218 = arith.addi %add3A_71, %add3A_217 : i32
      %dma_start3A_219 = arith.constant 0 : i32
      %dma_start3A_220 = tpu.memref_slice %arg6[%mul3A_216, %dma_start3A_219] : memref<294x128xf32, #tpu.memory_space<vmem>> -> memref<14x128xf32, #tpu.memory_space<vmem>>
      %dma_start3A_221 = arith.constant 0 : i32
      %dma_start3A_222 = tpu.memref_slice %arg4[%select_n3A, %add3A_218, %dma_start3A_221] : memref<16x28672x128xf32, #tpu.memory_space<hbm>> -> memref<1x14x128xf32, #tpu.memory_space<hbm>>
      %dma_start3A_223 = tpu.memref_squeeze %dma_start3A_222 : memref<1x14x128xf32, #tpu.memory_space<hbm>> -> memref<14x128xf32, #tpu.memory_space<hbm>>
      %dma_start3A_224 = arith.constant 0 : i32
      %dma_start3A_225 = tpu.memref_slice %arg4[%select_n3A, %add3A_218, %dma_start3A_224] : memref<16x28672x128xf32, #tpu.memory_space<hbm>> -> memref<1x14x128xf32, #tpu.memory_space<hbm>>
      %dma_start3A_226 = tpu.memref_squeeze %dma_start3A_225 : memref<1x14x128xf32, #tpu.memory_space<hbm>> -> memref<14x128xf32, #tpu.memory_space<hbm>>
      %dma_start3A_227 = arith.constant 0 : i32
      %dma_start3A_228 = tpu.memref_slice %arg6[%mul3A_216, %dma_start3A_227] : memref<294x128xf32, #tpu.memory_space<vmem>> -> memref<14x128xf32, #tpu.memory_space<vmem>>
      tpu.enqueue_dma source(%dma_start3A_228 : memref<14x128xf32, #tpu.memory_space<vmem>>) target(%dma_start3A_226 : memref<14x128xf32, #tpu.memory_space<hbm>>) target_semaphore(%arg7 : memref<!tpu.dma_semaphore, #tpu.memory_space<semaphore_mem>>)
      %slice3A_229 = vector.extract_strided_slice %get3A_66 {offsets = [10], sizes = [1], strides = [1]} : vector<16xi32> to vector<1xi32>
      %squeeze3A_230 = vector.extract %slice3A_229[0] : i32 from vector<1xi32>
      %mul3A_231 = arith.constant 14 : i32
      %mul3A_232 = arith.muli %squeeze3A_230, %mul3A_231 : i32
      %add3A_233 = arith.constant 140 : i32
      %add3A_234 = arith.addi %add3A_71, %add3A_233 : i32
      %dma_start3A_235 = arith.constant 0 : i32
      %dma_start3A_236 = tpu.memref_slice %arg6[%mul3A_232, %dma_start3A_235] : memref<294x128xf32, #tpu.memory_space<vmem>> -> memref<14x128xf32, #tpu.memory_space<vmem>>
      %dma_start3A_237 = arith.constant 0 : i32
      %dma_start3A_238 = tpu.memref_slice %arg4[%select_n3A, %add3A_234, %dma_start3A_237] : memref<16x28672x128xf32, #tpu.memory_space<hbm>> -> memref<1x14x128xf32, #tpu.memory_space<hbm>>
      %dma_start3A_239 = tpu.memref_squeeze %dma_start3A_238 : memref<1x14x128xf32, #tpu.memory_space<hbm>> -> memref<14x128xf32, #tpu.memory_space<hbm>>
      %dma_start3A_240 = arith.constant 0 : i32
      %dma_start3A_241 = tpu.memref_slice %arg4[%select_n3A, %add3A_234, %dma_start3A_240] : memref<16x28672x128xf32, #tpu.memory_space<hbm>> -> memref<1x14x128xf32, #tpu.memory_space<hbm>>
      %dma_start3A_242 = tpu.memref_squeeze %dma_start3A_241 : memref<1x14x128xf32, #tpu.memory_space<hbm>> -> memref<14x128xf32, #tpu.memory_space<hbm>>
      %dma_start3A_243 = arith.constant 0 : i32
      %dma_start3A_244 = tpu.memref_slice %arg6[%mul3A_232, %dma_start3A_243] : memref<294x128xf32, #tpu.memory_space<vmem>> -> memref<14x128xf32, #tpu.memory_space<vmem>>
      tpu.enqueue_dma source(%dma_start3A_244 : memref<14x128xf32, #tpu.memory_space<vmem>>) target(%dma_start3A_242 : memref<14x128xf32, #tpu.memory_space<hbm>>) target_semaphore(%arg7 : memref<!tpu.dma_semaphore, #tpu.memory_space<semaphore_mem>>)
      %slice3A_245 = vector.extract_strided_slice %get3A_66 {offsets = [11], sizes = [1], strides = [1]} : vector<16xi32> to vector<1xi32>
      %squeeze3A_246 = vector.extract %slice3A_245[0] : i32 from vector<1xi32>
      %mul3A_247 = arith.constant 14 : i32
      %mul3A_248 = arith.muli %squeeze3A_246, %mul3A_247 : i32
      %add3A_249 = arith.constant 154 : i32
      %add3A_250 = arith.addi %add3A_71, %add3A_249 : i32
      %dma_start3A_251 = arith.constant 0 : i32
      %dma_start3A_252 = tpu.memref_slice %arg6[%mul3A_248, %dma_start3A_251] : memref<294x128xf32, #tpu.memory_space<vmem>> -> memref<14x128xf32, #tpu.memory_space<vmem>>
      %dma_start3A_253 = arith.constant 0 : i32
      %dma_start3A_254 = tpu.memref_slice %arg4[%select_n3A, %add3A_250, %dma_start3A_253] : memref<16x28672x128xf32, #tpu.memory_space<hbm>> -> memref<1x14x128xf32, #tpu.memory_space<hbm>>
      %dma_start3A_255 = tpu.memref_squeeze %dma_start3A_254 : memref<1x14x128xf32, #tpu.memory_space<hbm>> -> memref<14x128xf32, #tpu.memory_space<hbm>>
      %dma_start3A_256 = arith.constant 0 : i32
      %dma_start3A_257 = tpu.memref_slice %arg4[%select_n3A, %add3A_250, %dma_start3A_256] : memref<16x28672x128xf32, #tpu.memory_space<hbm>> -> memref<1x14x128xf32, #tpu.memory_space<hbm>>
      %dma_start3A_258 = tpu.memref_squeeze %dma_start3A_257 : memref<1x14x128xf32, #tpu.memory_space<hbm>> -> memref<14x128xf32, #tpu.memory_space<hbm>>
      %dma_start3A_259 = arith.constant 0 : i32
      %dma_start3A_260 = tpu.memref_slice %arg6[%mul3A_248, %dma_start3A_259] : memref<294x128xf32, #tpu.memory_space<vmem>> -> memref<14x128xf32, #tpu.memory_space<vmem>>
      tpu.enqueue_dma source(%dma_start3A_260 : memref<14x128xf32, #tpu.memory_space<vmem>>) target(%dma_start3A_258 : memref<14x128xf32, #tpu.memory_space<hbm>>) target_semaphore(%arg7 : memref<!tpu.dma_semaphore, #tpu.memory_space<semaphore_mem>>)
      %slice3A_261 = vector.extract_strided_slice %get3A_66 {offsets = [12], sizes = [1], strides = [1]} : vector<16xi32> to vector<1xi32>
      %squeeze3A_262 = vector.extract %slice3A_261[0] : i32 from vector<1xi32>
      %mul3A_263 = arith.constant 14 : i32
      %mul3A_264 = arith.muli %squeeze3A_262, %mul3A_263 : i32
      %add3A_265 = arith.constant 168 : i32
      %add3A_266 = arith.addi %add3A_71, %add3A_265 : i32
      %dma_start3A_267 = arith.constant 0 : i32
      %dma_start3A_268 = tpu.memref_slice %arg6[%mul3A_264, %dma_start3A_267] : memref<294x128xf32, #tpu.memory_space<vmem>> -> memref<14x128xf32, #tpu.memory_space<vmem>>
      %dma_start3A_269 = arith.constant 0 : i32
      %dma_start3A_270 = tpu.memref_slice %arg4[%select_n3A, %add3A_266, %dma_start3A_269] : memref<16x28672x128xf32, #tpu.memory_space<hbm>> -> memref<1x14x128xf32, #tpu.memory_space<hbm>>
      %dma_start3A_271 = tpu.memref_squeeze %dma_start3A_270 : memref<1x14x128xf32, #tpu.memory_space<hbm>> -> memref<14x128xf32, #tpu.memory_space<hbm>>
      %dma_start3A_272 = arith.constant 0 : i32
      %dma_start3A_273 = tpu.memref_slice %arg4[%select_n3A, %add3A_266, %dma_start3A_272] : memref<16x28672x128xf32, #tpu.memory_space<hbm>> -> memref<1x14x128xf32, #tpu.memory_space<hbm>>
      %dma_start3A_274 = tpu.memref_squeeze %dma_start3A_273 : memref<1x14x128xf32, #tpu.memory_space<hbm>> -> memref<14x128xf32, #tpu.memory_space<hbm>>
      %dma_start3A_275 = arith.constant 0 : i32
      %dma_start3A_276 = tpu.memref_slice %arg6[%mul3A_264, %dma_start3A_275] : memref<294x128xf32, #tpu.memory_space<vmem>> -> memref<14x128xf32, #tpu.memory_space<vmem>>
      tpu.enqueue_dma source(%dma_start3A_276 : memref<14x128xf32, #tpu.memory_space<vmem>>) target(%dma_start3A_274 : memref<14x128xf32, #tpu.memory_space<hbm>>) target_semaphore(%arg7 : memref<!tpu.dma_semaphore, #tpu.memory_space<semaphore_mem>>)
      %slice3A_277 = vector.extract_strided_slice %get3A_66 {offsets = [13], sizes = [1], strides = [1]} : vector<16xi32> to vector<1xi32>
      %squeeze3A_278 = vector.extract %slice3A_277[0] : i32 from vector<1xi32>
      %mul3A_279 = arith.constant 14 : i32
      %mul3A_280 = arith.muli %squeeze3A_278, %mul3A_279 : i32
      %add3A_281 = arith.constant 182 : i32
      %add3A_282 = arith.addi %add3A_71, %add3A_281 : i32
      %dma_start3A_283 = arith.constant 0 : i32
      %dma_start3A_284 = tpu.memref_slice %arg6[%mul3A_280, %dma_start3A_283] : memref<294x128xf32, #tpu.memory_space<vmem>> -> memref<14x128xf32, #tpu.memory_space<vmem>>
      %dma_start3A_285 = arith.constant 0 : i32
      %dma_start3A_286 = tpu.memref_slice %arg4[%select_n3A, %add3A_282, %dma_start3A_285] : memref<16x28672x128xf32, #tpu.memory_space<hbm>> -> memref<1x14x128xf32, #tpu.memory_space<hbm>>
      %dma_start3A_287 = tpu.memref_squeeze %dma_start3A_286 : memref<1x14x128xf32, #tpu.memory_space<hbm>> -> memref<14x128xf32, #tpu.memory_space<hbm>>
      %dma_start3A_288 = arith.constant 0 : i32
      %dma_start3A_289 = tpu.memref_slice %arg4[%select_n3A, %add3A_282, %dma_start3A_288] : memref<16x28672x128xf32, #tpu.memory_space<hbm>> -> memref<1x14x128xf32, #tpu.memory_space<hbm>>
      %dma_start3A_290 = tpu.memref_squeeze %dma_start3A_289 : memref<1x14x128xf32, #tpu.memory_space<hbm>> -> memref<14x128xf32, #tpu.memory_space<hbm>>
      %dma_start3A_291 = arith.constant 0 : i32
      %dma_start3A_292 = tpu.memref_slice %arg6[%mul3A_280, %dma_start3A_291] : memref<294x128xf32, #tpu.memory_space<vmem>> -> memref<14x128xf32, #tpu.memory_space<vmem>>
      tpu.enqueue_dma source(%dma_start3A_292 : memref<14x128xf32, #tpu.memory_space<vmem>>) target(%dma_start3A_290 : memref<14x128xf32, #tpu.memory_space<hbm>>) target_semaphore(%arg7 : memref<!tpu.dma_semaphore, #tpu.memory_space<semaphore_mem>>)
      %slice3A_293 = vector.extract_strided_slice %get3A_66 {offsets = [14], sizes = [1], strides = [1]} : vector<16xi32> to vector<1xi32>
      %squeeze3A_294 = vector.extract %slice3A_293[0] : i32 from vector<1xi32>
      %mul3A_295 = arith.constant 14 : i32
      %mul3A_296 = arith.muli %squeeze3A_294, %mul3A_295 : i32
      %add3A_297 = arith.constant 196 : i32
      %add3A_298 = arith.addi %add3A_71, %add3A_297 : i32
      %dma_start3A_299 = arith.constant 0 : i32
      %dma_start3A_300 = tpu.memref_slice %arg6[%mul3A_296, %dma_start3A_299] : memref<294x128xf32, #tpu.memory_space<vmem>> -> memref<14x128xf32, #tpu.memory_space<vmem>>
      %dma_start3A_301 = arith.constant 0 : i32
      %dma_start3A_302 = tpu.memref_slice %arg4[%select_n3A, %add3A_298, %dma_start3A_301] : memref<16x28672x128xf32, #tpu.memory_space<hbm>> -> memref<1x14x128xf32, #tpu.memory_space<hbm>>
      %dma_start3A_303 = tpu.memref_squeeze %dma_start3A_302 : memref<1x14x128xf32, #tpu.memory_space<hbm>> -> memref<14x128xf32, #tpu.memory_space<hbm>>
      %dma_start3A_304 = arith.constant 0 : i32
      %dma_start3A_305 = tpu.memref_slice %arg4[%select_n3A, %add3A_298, %dma_start3A_304] : memref<16x28672x128xf32, #tpu.memory_space<hbm>> -> memref<1x14x128xf32, #tpu.memory_space<hbm>>
      %dma_start3A_306 = tpu.memref_squeeze %dma_start3A_305 : memref<1x14x128xf32, #tpu.memory_space<hbm>> -> memref<14x128xf32, #tpu.memory_space<hbm>>
      %dma_start3A_307 = arith.constant 0 : i32
      %dma_start3A_308 = tpu.memref_slice %arg6[%mul3A_296, %dma_start3A_307] : memref<294x128xf32, #tpu.memory_space<vmem>> -> memref<14x128xf32, #tpu.memory_space<vmem>>
      tpu.enqueue_dma source(%dma_start3A_308 : memref<14x128xf32, #tpu.memory_space<vmem>>) target(%dma_start3A_306 : memref<14x128xf32, #tpu.memory_space<hbm>>) target_semaphore(%arg7 : memref<!tpu.dma_semaphore, #tpu.memory_space<semaphore_mem>>)
      %slice3A_309 = vector.extract_strided_slice %get3A_66 {offsets = [15], sizes = [1], strides = [1]} : vector<16xi32> to vector<1xi32>
      %squeeze3A_310 = vector.extract %slice3A_309[0] : i32 from vector<1xi32>
      %mul3A_311 = arith.constant 14 : i32
      %mul3A_312 = arith.muli %squeeze3A_310, %mul3A_311 : i32
      %add3A_313 = arith.constant 210 : i32
      %add3A_314 = arith.addi %add3A_71, %add3A_313 : i32
      %dma_start3A_315 = arith.constant 0 : i32
      %dma_start3A_316 = tpu.memref_slice %arg6[%mul3A_312, %dma_start3A_315] : memref<294x128xf32, #tpu.memory_space<vmem>> -> memref<14x128xf32, #tpu.memory_space<vmem>>
      %dma_start3A_317 = arith.constant 0 : i32
      %dma_start3A_318 = tpu.memref_slice %arg4[%select_n3A, %add3A_314, %dma_start3A_317] : memref<16x28672x128xf32, #tpu.memory_space<hbm>> -> memref<1x14x128xf32, #tpu.memory_space<hbm>>
      %dma_start3A_319 = tpu.memref_squeeze %dma_start3A_318 : memref<1x14x128xf32, #tpu.memory_space<hbm>> -> memref<14x128xf32, #tpu.memory_space<hbm>>
      %dma_start3A_320 = arith.constant 0 : i32
      %dma_start3A_321 = tpu.memref_slice %arg4[%select_n3A, %add3A_314, %dma_start3A_320] : memref<16x28672x128xf32, #tpu.memory_space<hbm>> -> memref<1x14x128xf32, #tpu.memory_space<hbm>>
      %dma_start3A_322 = tpu.memref_squeeze %dma_start3A_321 : memref<1x14x128xf32, #tpu.memory_space<hbm>> -> memref<14x128xf32, #tpu.memory_space<hbm>>
      %dma_start3A_323 = arith.constant 0 : i32
      %dma_start3A_324 = tpu.memref_slice %arg6[%mul3A_312, %dma_start3A_323] : memref<294x128xf32, #tpu.memory_space<vmem>> -> memref<14x128xf32, #tpu.memory_space<vmem>>
      tpu.enqueue_dma source(%dma_start3A_324 : memref<14x128xf32, #tpu.memory_space<vmem>>) target(%dma_start3A_322 : memref<14x128xf32, #tpu.memory_space<hbm>>) target_semaphore(%arg7 : memref<!tpu.dma_semaphore, #tpu.memory_space<semaphore_mem>>)
    }
    %scan3A_55 = arith.constant 64 : i32
    %scan3A_56 = arith.constant 0 : i32
    %scan3A_57 = arith.constant 0 : i32
    %scan3A_58 = arith.constant 1024 : i32
    %scan3A_59 = arith.addi %scan3A_57, %scan3A_58 : i32
    %scan3A_60 = arith.constant 1 : i32
    scf.for %scan3A_62 = %scan3A_57 to %scan3A_59 step %scan3A_60  : i32 {
      %mul3A_63 = arith.constant 14 : i32
      %mul3A_64 = arith.muli %scan3A_62, %mul3A_63 : i32
      %add3A_65 = arith.addi %mul3A_32, %mul3A_64 : i32
      %dma_wait3A = arith.constant 0 : i32
      %dma_wait3A_66 = arith.constant 0 : i32
      %dma_wait3A_67 = tpu.memref_slice %arg6[%dma_wait3A, %dma_wait3A_66] : memref<294x128xf32, #tpu.memory_space<vmem>> -> memref<14x128xf32, #tpu.memory_space<vmem>>
      %dma_wait3A_68 = arith.constant 0 : i32
      %dma_wait3A_69 = tpu.memref_slice %arg4[%select_n3A, %add3A_65, %dma_wait3A_68] : memref<16x28672x128xf32, #tpu.memory_space<hbm>> -> memref<1x14x128xf32, #tpu.memory_space<hbm>>
      %dma_wait3A_70 = tpu.memref_squeeze %dma_wait3A_69 : memref<1x14x128xf32, #tpu.memory_space<hbm>> -> memref<14x128xf32, #tpu.memory_space<hbm>>
      %dma_wait3A_71 = arith.constant 0 : i32
      %dma_wait3A_72 = tpu.memref_slice %arg4[%select_n3A, %add3A_65, %dma_wait3A_71] : memref<16x28672x128xf32, #tpu.memory_space<hbm>> -> memref<1x14x128xf32, #tpu.memory_space<hbm>>
      %dma_wait3A_73 = tpu.memref_squeeze %dma_wait3A_72 : memref<1x14x128xf32, #tpu.memory_space<hbm>> -> memref<14x128xf32, #tpu.memory_space<hbm>>
      %dma_wait3A_74 = arith.constant 0 : i32
      %dma_wait3A_75 = arith.constant 0 : i32
      %dma_wait3A_76 = tpu.memref_slice %arg6[%dma_wait3A_74, %dma_wait3A_75] : memref<294x128xf32, #tpu.memory_space<vmem>> -> memref<14x128xf32, #tpu.memory_space<vmem>>
      tpu.wait_dma2 semaphore(%arg7 : memref<!tpu.dma_semaphore, #tpu.memory_space<semaphore_mem>>) src(%dma_wait3A_76 : memref<14x128xf32, #tpu.memory_space<vmem>>) dst(%dma_wait3A_73 : memref<14x128xf32, #tpu.memory_space<hbm>>)
    }
    %scan3A_61 = arith.constant 1024 : i32
    return
  }
}

module attributes {stable_mosaic.version = 14 : i64} {
  func.func @_build_table2_kernel(%arg0: memref<21x64xf32, #tpu.memory_space<vmem>>, %arg1: memref<14x64xf32, #tpu.memory_space<vmem>>, %arg2: memref<21x14x128xf32, #tpu.memory_space<vmem>>) attributes {dimension_semantics = [], scalar_prefetch = 0 : i64, scratch_operands = 0 : i64, tpu.core_type = #tpu.core_type<tc>} {
    %get3A = arith.constant 0 : index
    %get3A_0 = arith.constant 0 : index
    %get3A_1 = vector.load %arg0[%get3A, %get3A_0] : memref<21x64xf32, #tpu.memory_space<vmem>>, vector<21x64xf32>
    %get3A_2 = arith.constant 0 : index
    %get3A_3 = arith.constant 0 : index
    %get3A_4 = vector.load %arg1[%get3A_2, %get3A_3] : memref<14x64xf32, #tpu.memory_space<vmem>>, vector<14x64xf32>
    %broadcast_in_dim3A = vector.shape_cast %get3A_1 : vector<21x64xf32> to vector<21x1x64xf32>
    %broadcast_in_dim3A_5 = vector.shape_cast %broadcast_in_dim3A : vector<21x1x64xf32> to vector<21x1x64xf32>
    %broadcast_in_dim3A_6 = vector.broadcast %broadcast_in_dim3A_5 : vector<21x1x64xf32> to vector<21x14x64xf32>
    %broadcast_in_dim3A_7 = vector.shape_cast %get3A_4 : vector<14x64xf32> to vector<1x14x64xf32>
    %broadcast_in_dim3A_8 = vector.shape_cast %broadcast_in_dim3A_7 : vector<1x14x64xf32> to vector<1x14x64xf32>
    %broadcast_in_dim3A_9 = vector.broadcast %broadcast_in_dim3A_8 : vector<1x14x64xf32> to vector<21x14x64xf32>
    %concatenate3A = tpu.concatenate %broadcast_in_dim3A_6, %broadcast_in_dim3A_9 in 2 : vector<21x14x64xf32>, vector<21x14x64xf32> -> vector<21x14x128xf32>
    %swap3A = arith.constant 0 : index
    %swap3A_10 = arith.constant 0 : index
    %swap3A_11 = arith.constant 0 : index
    %swap3A_12 = vector.load %arg2[%swap3A, %swap3A_10, %swap3A_11] : memref<21x14x128xf32, #tpu.memory_space<vmem>>, vector<21x14x128xf32>
    tpu.vector_store %arg2[%swap3A, %swap3A_10, %swap3A_11], %concatenate3A {strides = array<i32>} : memref<21x14x128xf32, #tpu.memory_space<vmem>>, vector<21x14x128xf32>,
    return
  }
}

</mosaic_0001>

<sc_bundles>
// kernel: kernel.4.cloned.1.call-start
scs
__scs_entry_jumppad:
0x0: {  	(pc) =	sbr.rel $0x88, $3  }
0x1: {  	(tag) =	ssettag $0x0;
	lr =	simm.s32 $0x1  }
0x2: {  	[smem:$0x3F9C] =	sst lr;
	_ =	strace $0xD0000000  }
0x3: {  	_ = 	snop  }
0x4: {  	_ = 	snop  }
0x5: {  	_ = 	snop  }
0x6: {  	_ = 	snop  }
0x7: {  	_ = 	snop  }
__scs_overlays_trampoline_lowered:
0x8: {  	[smem:$0x3FAB] =	sst s0  }
0x9: {  	[smem:$0x3FAC] =	sst s1  }
0xa: {  	[smem:$0x3FAD] =	sst s2  }
0xb: {  	[smem:$0x3FAE] =	sst s3  }
0xc: {  	[smem:$0x3FAF] =	sst s4  }
0xd: {  	[smem:$0x3FB0] =	sst s5  }
0xe: {  	[smem:$0x3FB1] =	sst s6  }
0xf: {  	[smem:$0x3FB2] =	sst s7  }
0x10: {  	[smem:$0x3FB3] =	sst s8  }
0x11: {  	[smem:$0x3FB4] =	sst s9;
	s0 =	simm.s32 @!p0 $0x0  }
0x12: {  	s1 =	sld [smem:$0x3F9A];
	s0 =	simm.s32 @p0 $0x1  }
0x13: {  	[smem:$0x3FB5] =	sst s0;
	s0 =	simm.s32 @!p1 $0x0  }
0x14: {  	s2 =	sld [smem:$0x3F99];
	s0 =	simm.s32 @p1 $0x1  }
0x15: {  	[smem:$0x3FB6] =	sst s0;
	s0 =	simm.s32 @!p2 $0x0  }
0x16: {  	s3 =	sld [smem:$0x3FDB];
	s0 =	simm.s32 @p2 $0x1  }
0x17: {  	s4 =	simm.s32 $0x1BF5;
	[smem:$0x3FB8] =	sst s0  }
0x18: {  	s0 =	sld [smem:$0x3F9B];
	_ =	swait.ge [sflag:s4], $0x0  }
0x19: {  	s7 =	sld [smem:$0x3F9C]  }
0x1a: {  	s8 =	sadd.s32 $0xFFFFE003, lr  }
0x1b: {  	s9 =	sadd.s32 $0xFFFFFEF7, lr;
	s5 =	simm.s32 $0xFFFFFFFF;
	p2 =	slt.u32 s8, $0xFFFFF086  }
0x1c: {  	p1 =	slt.u32 s9, $0xF7A;
	s5 =	simm.s32 @!p2 $0x0  }
0x1d: {  	s5 =	simm.s32 @p1 $0x1;
	p0 =	seq.s32 s7, s2  }
0x1e: {  	s7 =	smul.u32 @!p0 $0xF7A, s2;
	p2 =	seq.s32 @!p0 s5, $0x0  }
0x1f: {  	s9 =	smul.u32 $0xF7A, s1;
	s8 =	simm.s32 @!p0 $0x1BF5;
	p2 =	por !p2, p0  }
0x20: {  	[sflag:s8] =	ssyncset.s32 @!p0 $0xFFFFF086;
	s6 =	sadd.s32 @!p0 s3, s7;
	s7 =	simm.s32 @!p0 $0x108  }
0x21: {  	s3 =	sadd.s32 s3, s9;
	s6 =	sadd.s32 @!p0 $0x88, s6;
	s7 =	simm.s32 @p2 $0x1082  }
0x22: {  	[simem:s7], [sflag:s8] =	dma.local @!p0 [hbm:s6], $0xF7A  }
0x23: {  	s9 =	sor.u32 $0xD0000000, s2;
	s6 =	simm.s32 $0x108;
	_ =	swait.ge @!p0 [sflag:s8], $0x0  }
0x24: {  	s3 =	sadd.s32 $0x88, s3;
	s6 =	simm.s32 @!p1 $0x1082;
	[sflag:s4] =	ssyncset.s32 $0xFFFFF086  }
0x25: {  	[simem:s6], [sflag:s4] =	dma.local [hbm:s3], $0xF7A  }
0x26: {  	[smem:$0x3F9C] =	sst s1;
	(tag) =	ssettag s2;
	_ =	strace s9  }
0x27: {  	s1 =	sld [smem:$0x3FAC]  }
0x28: {  	s2 =	sld [smem:$0x3FAD]  }
0x29: {  	s4 =	sld [smem:$0x3FAF]  }
0x2a: {  	p0 =	seq.s32 s5, $0x0;
	s5 =	sld [smem:$0x3FB0]  }
0x2b: {  	s6 =	sld [smem:$0x3FB1]  }
0x2c: {  	s7 =	sld [smem:$0x3FB2]  }
0x2d: {  	s3 =	simm.s32 $0x108;
	s8 =	sld [smem:$0x3FB3]  }
0x2e: {  	s3 =	simm.s32 @!p0 $0x1082;
	s9 =	sld [smem:$0x3FB4]  }
0x2f: {  	lr =	sadd.s32 s0, s3;
	s0 =	sld [smem:$0x3FAB]  }
0x30: {  	s3 =	sld [smem:$0x3FAE]  }
0x31: {  	[smem:$0x3FB7] =	sst s10  }
0x32: {  	s10 =	sld [smem:$0x3FB5];
	_ =	sdelay $0x3  }
0x33: {  	p0 =	seq.s32 s10, $0x1;
	s10 =	sld [smem:$0x3FB7];
	_ =	sdelay $0x3  }
0x34: {  	[smem:$0x3FB7] =	sst s10  }
0x35: {  	s10 =	sld [smem:$0x3FB6];
	_ =	sdelay $0x3  }
0x36: {  	p1 =	seq.s32 s10, $0x1;
	s10 =	sld [smem:$0x3FB7];
	_ =	sdelay $0x3  }
0x37: {  	[smem:$0x3FB7] =	sst s10  }
0x38: {  	s10 =	sld [smem:$0x3FB8]  }
0x39: {  	_ = 	snop;
	(pc) =	sbr.ind lr, $3  }
0x3a: {  	_ = 	snop  }
0x3b: {  	_ = 	snop  }
0x3c: {  	p2 =	seq.s32 s10, $0x1;
	s10 =	sld [smem:$0x3FB7]  }
0x3d: {  	_ =	shalt  }
0x3e: {  	_ =	shalt  }
0x3f: {  	_ =	shalt  }
0x40: {  	_ =	shalt  }
0x41: {  	_ =	shalt  }
0x42: {  	_ =	shalt  }
0x43: {  	_ =	shalt  }
0x44: {  	_ =	shalt  }
0x45: {  	_ =	shalt  }
0x46: {  	_ =	shalt  }
0x47: {  	_ =	shalt  }
0x48: {  	_ =	shalt  }
0x49: {  	_ =	shalt  }
0x4a: {  	_ =	shalt  }
0x4b: {  	_ =	shalt  }
0x4c: {  	_ =	shalt  }
0x4d: {  	_ =	shalt  }
0x4e: {  	_ =	shalt  }
0x4f: {  	_ =	shalt  }
0x50: {  	_ =	shalt  }
0x51: {  	_ =	shalt  }
0x52: {  	_ =	shalt  }
0x53: {  	_ =	shalt  }
0x54: {  	_ =	shalt  }
0x55: {  	_ =	shalt  }
0x56: {  	_ =	shalt  }
0x57: {  	_ =	shalt  }
0x58: {  	_ =	shalt  }
0x59: {  	_ =	shalt  }
0x5a: {  	_ =	shalt  }
0x5b: {  	_ =	shalt  }
0x5c: {  	_ =	shalt  }
0x5d: {  	_ =	shalt  }
0x5e: {  	_ =	shalt  }
0x5f: {  	_ =	shalt  }
0x60: {  	_ =	shalt  }
0x61: {  	_ =	shalt  }
0x62: {  	_ =	shalt  }
0x63: {  	_ =	shalt  }
0x64: {  	_ =	shalt  }
0x65: {  	_ =	shalt  }
0x66: {  	_ =	shalt  }
0x67: {  	_ =	shalt  }
0x68: {  	_ =	shalt  }
0x69: {  	_ =	shalt  }
0x6a: {  	_ =	shalt  }
0x6b: {  	_ =	shalt  }
0x6c: {  	_ =	shalt  }
0x6d: {  	_ =	shalt  }
0x6e: {  	_ =	shalt  }
0x6f: {  	_ =	shalt  }
0x70: {  	_ =	shalt  }
0x71: {  	_ =	shalt  }
0x72: {  	_ =	shalt  }
0x73: {  	_ =	shalt  }
0x74: {  	_ =	shalt  }
0x75: {  	_ =	shalt  }
0x76: {  	_ =	shalt  }
0x77: {  	_ =	shalt  }
0x78: {  	_ =	shalt  }
0x79: {  	_ =	shalt  }
0x7a: {  	_ =	shalt  }
0x7b: {  	_ =	shalt  }
0x7c: {  	_ =	shalt  }
0x7d: {  	_ =	shalt  }
0x7e: {  	_ =	shalt  }
0x7f: {  	_ =	shalt  }
0x80: {  	_ =	shalt  }
0x81: {  	_ =	shalt  }
0x82: {  	_ =	shalt  }
0x83: {  	_ =	shalt  }
0x84: {  	_ =	shalt  }
0x85: {  	_ =	shalt  }
0x86: {  	_ =	shalt  }
0x87: {  	_ =	shalt  }
.Lfunc_end0:
.L_simem_size_0:
called_computation_lowered:
.L_overlay_start_0:
0x88: {  	s2 =	sld [smem:$0x3FD9]  }
0x89: {  	s3 =	sld [smem:$0x3FFE];
	_ =	sdelay $0x1  }
0x8a: {  	s1 =	srdreg.scid  }
0x8b: {  	s0 =	sand.u32 $0x1, s1  }
0x8c: {  	s14 =	sshll.u32 s0, $0xA;
	s2 =	sadd.s32 s3, s2  }
0x8d: {  	s2 =	sadd.s32 s2, s14  }
0x8e: {  	[smem:$0x3FC3] =	sst s2  }
0x8f: {  	_ = 	snop  }
0x90: {  	s2 =	sld [smem:$0x3FD0];
	_ =	sdelay $0x2  }
0x91: {  	s15 =	simm.s32 $0xA;
	s4 =	simm.s32 $0x10  }
0x92: {  	[smem:s4], [sflag:s15] =	dma.local [hbm:s2], $0x1  }
0x93: {  	_ =	swait.eq [sflag:s15], $0x1  }
0x94: {  	[sflag:s15] =	ssyncset.done $0x0  }
0x95: {  	[sflag:s15] =	ssyncadd.s32 $0xFFFFFFFF  }
0x96: {  	s16 =	sld [smem:$0x10];
	(tm) =	ssettm $0x1  }
0x97: {  	s17 =	sld [smem:$0x3FFB];
	_ =	sdelay $0x3  }
0x98: {  	_ =	strace s17  }
0x99: {  	s3 =	sld [smem:$0x3FFC];
	_ =	sdelay $0x3  }
0x9a: {  	_ =	strace s3  }
0x9b: {  	s3 =	sld [smem:$0x3FFD];
	_ =	sdelay $0x3  }
0x9c: {  	_ =	strace s3  }
0x9d: {  	_ =	strace $0x8FFFFFFF  }
0x9e: {  	s18 =	sld [smem:$0x3FDB];
	_ =	sdelay $0x1  }
0x9f: {  	s19 =	simm.s32 $_scs_section_size  }
0xa0: {  	s5 =	simm.s32 $_size__tile_overlayer_lowered;
	s6 =	simm.s32 $_tile_overlayer_lowered  }
0xa1: {  	s22 =	simm.s32 $0x1BFF;
	s21 =	sshll.u32 s6, $0x1;
	s3 =	sadd.s32 s19, s18  }
0xa2: {  	s7 =	simm.s32 $0x0;
	s20 =	sshll.u32 s5, $0x1;
	s5 =	sadd.s32 s21, s3  }
0xa3: {  	[timem:s7], [sflag:s22] =	dma.local [hbm:s5], s20  }
0xa4: {  	_ =	swait.ge [sflag:s22], s20  }
0xa5: {  	s4 =	ssub.s32 $0x0, s20;
	[sflag:s22] =	ssyncset.done $0x0  }
0xa6: {  	[sflag:s22] =	ssyncadd.s32 s4;
	_ =	sdelay $0x1  }
0xa7: {  	s23 =	simm.s32 $0x1B8B  }
0xa8: {  	_ =	swait.ge [sflag:s23], $0x1  }
0xa9: {  	[sflag:s23] =	ssyncset.done $0x0  }
0xaa: {  	s25 =	simm.s32 $0x1B8E;
	s24 =	sld [smem:$0x3FFE];
	[sflag:s23] =	ssyncadd.s32 $0xFFFFFFFF  }
0xab: {  	s26 =	simm.s32 $execute0_lowered;
	[smem:$0x3FD2] =	sst s25  }
0xac: {  	s5 =	sshll.u32 s26, $0x1;
	_ =	strace $0x80000046;
	[dreg:$0x1] =	wrdreg $0xFFFFFFFF  }
0xad: {  	s28 =	simm.s32 $_size_execute0_lowered;
	s3 =	sadd.s32 s3, s5;
	[dreg:$0x0] =	wrdreg $0x0  }
0xae: {  	s5 =	sshll.u32 s28, $0x1;
	[dreg:$0x2] =	wrdreg s3  }
0xaf: {  	[dreg:$0x3] =	wrdreg s5  }
0xb0: {  	[dreg:$0x4] =	wrdreg $0xC0  }
0xb1: {  	_ =	task [dreg:s7], $0x5FFFF  }
0xb2: {  	[dreg:$0x1] =	wrdreg $0xFFFFFFFF  }
0xb3: {  	[dreg:$0x0] =	wrdreg $0x60  }
0xb4: {  	[dreg:$0x2] =	wrdreg s24  }
0xb5: {  	[dreg:$0x3] =	wrdreg s16  }
0xb6: {  	[dreg:$0x4] =	wrdreg $0x9  }
0xb7: {  	_ =	task.clear_ibuf [dreg:s7], $0x5FFFF;
	_ =	strace $0x90000046  }
0xb8: {  	s29 =	simm.s32 $0x9;
	_ =	strace $0x80000048  }
0xb9: {  	_ =	swait.ge [sflag:s29], $0x1  }
0xba: {  	[sflag:s29] =	ssyncadd.s32 $0xFFFFFFFF  }
0xbb: {  	_ =	strace $0x90000048  }
0xbc: {  	_ =	sfence  }
0xbd: {  	s30 =	sld [smem:$0x0];
	_ =	sdelay $0x2  }
0xbe: {  	s31 =	sshll.u32 s1, $0xD;
	s1 =	sshrl.u32 s1, $0x2  }
0xbf: {  	s3 =	sand.u32 $0x4000, s31;
	s1 =	sadd.s32 s1, s30  }
0xc0: {  	s0 =	sor.u32 s3, s0;
	s1 =	sshll.u32 s1, $0x11  }
0xc1: {  	s0 =	sor.u32 s1, s0  }
0xc2: {  	s0 =	sadd.s32 $0x8F2B, s0  }
0xc3: {  	[sflag:s0] =	ssyncadd.remote.s32 $0x1  }
0xc4: {  	_ =	sfence.sel $0xFFFF  }
0xc5: {  	[dreg:$0x0] =	wrdreg $0xFFFFFFFF;
	(pc) =	sbr.abs _section_cstart, $3  }
0xc6: {  	[dreg:$0x1] =	wrdreg $0xFFFFFFFF  }
0xc7: {  	_ =	task.clear_ibuf [dreg:s7], $0x2FFFF;
	_ =	strace $0x9FFFFFFF  }
0xc8: {  	(tm) =	ssettm $0x7FFFFFFF  }
0xc9: {  	_ =	shalt  }
tec
execute0_lowered:
.L_overlay_start_1:
0x0: {  	(tag) =	ssettag $0x1  }
0x1: {  	s1 =	srdreg.scid  }
0x2: {  	s0 =	stileid.u32;
	s4 =	sand.u32 $0x1, s1  }
0x3: {  	s1 =	sor.u32 s4, s0  }
0x4: {  	p1 =	seq.s32 s4, $0x1;
	p0 =	seq.s32 s1, $0x0  }
0x5: {  	s5 =	rddreg [dreg:$0x0];
	s6 =	simm.s32 $0x1;
	p0 =	por !p0, !p1  }
0x6: {  	s2 =	rddreg [dreg:$0x1];
	s3 =	simm.s32 $0x0;
	p0 =	por !p0, !p0  }
0x7: {  	[smem:$0x7FF] =	sst s3;
	s8 =	sshll.u32 s4, $0xA;
	s6 =	simm.s32 @!p0 $0x0  }
0x8: {  	s31 =	ssub.s32 $0x2, s4;
	s9 =	smul.u32 $0x1C0000, s4;
	s6 =	ssub.s32 s0, s6  }
0x9: {  	s4 =	simm.s32 $0x1;
	s1 =	rddreg [dreg:$0x2];
	s7 =	sshll.u32 s6, $0xB  }
0xa: {  	s10 =	sshrl.u32 s31, $0x1;
	s6 =	smul.u32 $0x380000, s6;
	s7 =	sor.u32 s8, s7  }
0xb: {  	_ =	strace $0x80000047;
	s8 =	ssub.s32 s31, s10;
	s7 =	sshrl.u32 s7, $0x3  }
0xc: {  	s10 =	simm.s32 $0x0;
	s9 =	sadd.s32 s9, s6;
	s7 =	sadd.s32 s7, s5  }
0xd: {  	s5 =	sadd.s32 $0x1E00, s5;
	[dreg:$0x3] =	wrdreg s9;
	s9 =	simm.s32 $0x2  }
0xe: {  	s6 =	sadd.s32 $0xE00, s7;
	s7 =	smax.u32 s8, $0x1;
	s8 =	simm.s32 $0x400  }
.LBB2_1:
0xf: {  	[tilespmem:s8], [sflag:$0x2] =	stream.linear.gather [hbm4b:s5+s3], $0x9300, $0x38;
	[tilespmem:$0x9700] =	vst v63  }
0x10: {  	_ =	swait.ge [sflag:s9], $0x9300  }
0x11: {  	[sflag:s9] =	ssyncset.done $0x0  }
0x12: {  	[sflag:s9] =	ssyncadd.s32 $0xFFFF6D00  }
0x13: {  	[tilespmem:s3], [sflag:$0x2] =	stream.linear.gather [hbm4b:s6+s3], $0x400, $0x38;
	[tilespmem:$0x9700] =	vst v63  }
0x14: {  	_ =	swait.ge [sflag:s9], $0x400  }
0x15: {  	[sflag:s9] =	ssyncset.done $0x0  }
0x16: {  	[sflag:s9] =	ssyncadd.s32 $0xFFFFFC00  }
0x17: {  	v0 =	vld [tilespmem:s3+$0x0];
	_ =	sdelay $0x4  }
0x18: {  	v0 =	vmul.u32 $0x1C00, v0;
	_ =	sdelay $0x1  }
0x19: {  	v0 =	vshra.s32 v0, $0x2  }
0x1a: {  	v0 =	vadd.s32 $0x400, v0  }
0x1b: {  	(v2sf) =	vpush v0, $0x0  }
0x1c: {  	(v2sf) =	vpush v0, $0x6;
	_ =	sdelay $0x1  }
0x1d: {  	(v2sf) =	vpush v0, $0x1;
	_ =	sdelay $0x1  }
0x1e: {  	(v2sf) =	vpush v0, $0x2;
	_ =	sdelay $0x1  }
0x1f: {  	(v2sf) =	vpush v0, $0x3;
	_ =	sdelay $0x1  }
0x20: {  	s11 =	rddreg [dreg:$0x3];
	(v2sf) =	vpush v0, $0x4  }
0x21: {  	s12 =	sadd.s32 $0x0, s11  }
0x22: {  	s11 =	sshrl.u32 s12, $0x3;
	s13 =	sadd.s32 $0x700, s12;
	(v2sf) =	vpush v0, $0x5  }
0x23: {  	s14 =	sadd.s32 $0x4600, s12;
	s15 =	sadd.s32 $0x1500, s12;
	s16 =	sadd.s32 $0x3100, s12  }
0x24: {  	s17 =	sadd.s32 $0xE00, s12;
	s18 =	sadd.s32 $0x1C00, s12;
	s19 =	sadd.s32 $0x2300, s12  }
0x25: {  	s20 =	sadd.s32 $0x2A00, s12;
	s22 =	sadd.s32 $0x6200, s12;
	s28 =	sadd.s32 $0x3800, s12  }
0x26: {  	s30 =	sadd.s32 $0x3F00, s12;
	s11 =	sadd.s32 s2, s11;
	s21 =	spop (v2sf);
	(v2sf) =	vpush v0, $0x7  }
0x27: {  	s13 =	sshrl.u32 s13, $0x3;
	s15 =	sshrl.u32 s15, $0x3;
	s23 =	spop (v2sf)  }
0x28: {  	[hbm4b:s11+s3] =	stream.linear.scatter [tilespmem:s21], [sflag:$0x1], $0x700, $0x38;
	(v2sf) =	vpush v0, $0x8;
	[tilespmem:$0x9700] =	vst v63  }
0x29: {  	s17 =	sshrl.u32 s17, $0x3;
	s13 =	sadd.s32 s2, s13;
	s21 =	spop (v2sf)  }
0x2a: {  	(v2sf) =	vpush v0, $0x9;
	[hbm4b:s13+s3] =	stream.linear.scatter [tilespmem:s21], [sflag:$0x1], $0x700, $0x38;
	[tilespmem:$0x9700] =	vst v63  }
0x2b: {  	s20 =	sshrl.u32 s20, $0x3;
	s17 =	sadd.s32 s2, s17;
	s25 =	spop (v2sf)  }
0x2c: {  	(v2sf) =	vpush v0, $0xA;
	[hbm4b:s17+s3] =	stream.linear.scatter [tilespmem:s25], [sflag:$0x1], $0x700, $0x38;
	[tilespmem:$0x9700] =	vst v63  }
0x2d: {  	s31 =	sshrl.u32 s18, $0x3;
	s15 =	sadd.s32 s2, s15;
	s26 =	spop (v2sf)  }
0x2e: {  	(v2sf) =	vpush v0, $0xB;
	[hbm4b:s15+s3] =	stream.linear.scatter [tilespmem:s26], [sflag:$0x1], $0x700, $0x38;
	[tilespmem:$0x9700] =	vst v63  }
0x2f: {  	s24 =	sshrl.u32 s19, $0x3;
	s11 =	sadd.s32 s2, s31;
	s29 =	spop (v2sf)  }
0x30: {  	(v2sf) =	vpush v0, $0xC;
	[hbm4b:s11+s3] =	stream.linear.scatter [tilespmem:s29], [sflag:$0x1], $0x700, $0x38;
	[tilespmem:$0x9700] =	vst v63  }
0x31: {  	s16 =	sshrl.u32 s16, $0x3;
	s13 =	sadd.s32 s2, s24;
	s31 =	spop (v2sf)  }
0x32: {  	[hbm4b:s13+s3] =	stream.linear.scatter [tilespmem:s31], [sflag:$0x1], $0x700, $0x38;
	[tilespmem:$0x9700] =	vst v63  }
0x33: {  	s14 =	sshrl.u32 s14, $0x3;
	s18 =	sadd.s32 s2, s20;
	s19 =	sadd.s32 s2, s16  }
0x34: {  	[hbm4b:s18+s3] =	stream.linear.scatter [tilespmem:s23], [sflag:$0x1], $0x700, $0x38;
	[tilespmem:$0x9700] =	vst v63  }
0x35: {  	s14 =	sadd.s32 s2, s14;
	s17 =	sshrl.u32 s28, $0x3;
	s20 =	spop (v2sf)  }
0x36: {  	[hbm4b:s19+s3] =	stream.linear.scatter [tilespmem:s20], [sflag:$0x1], $0x700, $0x38;
	[tilespmem:$0x9700] =	vst v63  }
0x37: {  	s11 =	sshrl.u32 s30, $0x3;
	s13 =	sadd.s32 s2, s17;
	s23 =	spop (v2sf)  }
0x38: {  	[hbm4b:s13+s3] =	stream.linear.scatter [tilespmem:s23], [sflag:$0x1], $0x700, $0x38;
	[tilespmem:$0x9700] =	vst v63  }
0x39: {  	s21 =	sadd.s32 $0x4D00, s12;
	s11 =	sadd.s32 s2, s11;
	s25 =	spop (v2sf)  }
0x3a: {  	[hbm4b:s11+s3] =	stream.linear.scatter [tilespmem:s25], [sflag:$0x1], $0x700, $0x38;
	[tilespmem:$0x9700] =	vst v63  }
0x3b: {  	s24 =	sshrl.u32 s21, $0x3;
	s26 =	sadd.s32 $0x5400, s12;
	s28 =	spop (v2sf)  }
0x3c: {  	[hbm4b:s14+s3] =	stream.linear.scatter [tilespmem:s28], [sflag:$0x1], $0x700, $0x38;
	[tilespmem:$0x9700] =	vst v63  }
0x3d: {  	s30 =	sadd.s32 $0x5B00, s12;
	s13 =	sadd.s32 s2, s24;
	s29 =	spop (v2sf)  }
0x3e: {  	[hbm4b:s13+s3] =	stream.linear.scatter [tilespmem:s29], [sflag:$0x1], $0x700, $0x38;
	[tilespmem:$0x9700] =	vst v63  }
0x3f: {  	s11 =	sshrl.u32 s26, $0x3;
	s31 =	spop (v2sf);
	s13 =	sshrl.u32 s30, $0x3  }
0x40: {  	(v2sf) =	vpush v0, $0xD;
	s11 =	sadd.s32 s2, s11;
	s14 =	sshrl.u32 s22, $0x3;
	s15 =	sadd.s32 s2, s13  }
0x41: {  	(v2sf) =	vpush v0, $0xE;
	[hbm4b:s11+s3] =	stream.linear.scatter [tilespmem:s31], [sflag:$0x1], $0x700, $0x38;
	[tilespmem:$0x9700] =	vst v63  }
0x42: {  	(v2sf) =	vpush v0, $0xF;
	s13 =	sadd.s32 $0x6900, s12;
	s12 =	simm.s32 $0x0;
	s11 =	simm.s32 $0x7000  }
.LBB2_2:
0x43: {  	_ =	sdelay $0xb  }
0x44: {  	s16 =	spop (v2sf)  }
0x45: {  	[hbm4b:s15+s3] =	stream.linear.scatter [tilespmem:s16], [sflag:$0x1], $0x700, $0x38;
	[tilespmem:$0x9700] =	vst v63  }
0x46: {  	s13 =	sshrl.u32 s13, $0x3;
	s14 =	sadd.s32 s2, s14;
	s25 =	spop (v2sf)  }
0x47: {  	[hbm4b:s14+s3] =	stream.linear.scatter [tilespmem:s25], [sflag:$0x1], $0x700, $0x38;
	[tilespmem:$0x9700] =	vst v63  }
0x48: {  	s12 =	sadd.s32 $0x10, s12;
	s13 =	sadd.s32 s2, s13;
	s26 =	spop (v2sf)  }
0x49: {  	[hbm4b:s13+s3] =	stream.linear.scatter [tilespmem:s26], [sflag:$0x1], $0x700, $0x38;
	[tilespmem:$0x9700] =	vst v63  }
0x4a: {  	v0 =	vld [tilespmem:s12+$0x0];
	_ =	sdelay $0x4  }
0x4b: {  	v0 =	vmul.u32 $0x1C00, v0;
	_ =	sdelay $0x1  }
0x4c: {  	v0 =	vshra.s32 v0, $0x2  }
0x4d: {  	v0 =	vadd.s32 $0x400, v0  }
0x4e: {  	(v2sf) =	vpush v0, $0x0  }
0x4f: {  	(v2sf) =	vpush v0, $0x6;
	_ =	sdelay $0x1  }
0x50: {  	(v2sf) =	vpush v0, $0x1;
	_ =	sdelay $0x1  }
0x51: {  	(v2sf) =	vpush v0, $0x2;
	_ =	sdelay $0x1  }
0x52: {  	(v2sf) =	vpush v0, $0x3  }
0x53: {  	s17 =	smov.u32 s11;
	s28 =	rddreg [dreg:$0x3]  }
0x54: {  	s13 =	sadd.s32 s17, s28;
	(v2sf) =	vpush v0, $0x4  }
0x55: {  	p0 =	sne.s32 s11, $0x1B9000;
	s11 =	sadd.s32 $0x7000, s11;
	s29 =	sshrl.u32 s13, $0x3  }
0x56: {  	s30 =	sadd.s32 $0x700, s13;
	s16 =	sadd.s32 $0x4600, s13;
	s25 =	sadd.s32 $0x1500, s13;
	(v2sf) =	vpush v0, $0x5  }
0x57: {  	s18 =	sadd.s32 $0x3100, s13;
	s19 =	sadd.s32 $0xE00, s13;
	s20 =	sadd.s32 $0x1C00, s13  }
0x58: {  	s22 =	sadd.s32 $0x2300, s13;
	s26 =	sadd.s32 $0x2A00, s13;
	s14 =	sadd.s32 $0x6200, s13  }
0x59: {  	s28 =	sadd.s32 $0x3800, s13;
	s31 =	sadd.s32 s2, s29;
	s15 =	sshrl.u32 s30, $0x3  }
0x5a: {  	s21 =	sshrl.u32 s25, $0x3;
	s23 =	sshrl.u32 s26, $0x3;
	s24 =	spop (v2sf);
	(v2sf) =	vpush v0, $0x7  }
0x5b: {  	s20 =	sshrl.u32 s20, $0x3;
	s22 =	sshrl.u32 s22, $0x3;
	s25 =	spop (v2sf)  }
0x5c: {  	[hbm4b:s31+s3] =	stream.linear.scatter [tilespmem:s24], [sflag:$0x1], $0x700, $0x38;
	(v2sf) =	vpush v0, $0x8;
	[tilespmem:$0x9700] =	vst v63  }
0x5d: {  	s19 =	sshrl.u32 s19, $0x3;
	s15 =	sadd.s32 s2, s15;
	s26 =	spop (v2sf)  }
0x5e: {  	(v2sf) =	vpush v0, $0x9;
	[hbm4b:s15+s3] =	stream.linear.scatter [tilespmem:s26], [sflag:$0x1], $0x700, $0x38;
	[tilespmem:$0x9700] =	vst v63  }
0x5f: {  	s29 =	sadd.s32 $0x3F00, s13;
	s30 =	sadd.s32 s2, s19;
	s31 =	spop (v2sf)  }
0x60: {  	(v2sf) =	vpush v0, $0xA;
	[hbm4b:s30+s3] =	stream.linear.scatter [tilespmem:s31], [sflag:$0x1], $0x700, $0x38;
	[tilespmem:$0x9700] =	vst v63  }
0x61: {  	s17 =	sshrl.u32 s28, $0x3;
	s21 =	sadd.s32 s2, s21;
	s26 =	spop (v2sf)  }
0x62: {  	[hbm4b:s21+s3] =	stream.linear.scatter [tilespmem:s26], [sflag:$0x1], $0x700, $0x38;
	[tilespmem:$0x9700] =	vst v63  }
0x63: {  	s19 =	sshrl.u32 s29, $0x3;
	s28 =	sadd.s32 s2, s20;
	(v2sf) =	vpush v0, $0xB;
	s29 =	spop (v2sf)  }
0x64: {  	[hbm4b:s28+s3] =	stream.linear.scatter [tilespmem:s29], [sflag:$0x1], $0x700, $0x38;
	[tilespmem:$0x9700] =	vst v63  }
0x65: {  	s18 =	sshrl.u32 s18, $0x3;
	(v2sf) =	vpush v0, $0xC;
	s30 =	sadd.s32 s2, s22;
	s22 =	spop (v2sf)  }
0x66: {  	[hbm4b:s30+s3] =	stream.linear.scatter [tilespmem:s22], [sflag:$0x1], $0x700, $0x38;
	[tilespmem:$0x9700] =	vst v63  }
0x67: {  	s16 =	sshrl.u32 s16, $0x3;
	s14 =	sshrl.u32 s14, $0x3;
	s24 =	sadd.s32 s2, s23  }
0x68: {  	[hbm4b:s24+s3] =	stream.linear.scatter [tilespmem:s25], [sflag:$0x1], $0x700, $0x38;
	[tilespmem:$0x9700] =	vst v63  }
0x69: {  	s31 =	sadd.s32 $0x4D00, s13;
	s28 =	sadd.s32 s2, s18;
	s29 =	spop (v2sf)  }
0x6a: {  	[hbm4b:s28+s3] =	stream.linear.scatter [tilespmem:s29], [sflag:$0x1], $0x700, $0x38;
	[tilespmem:$0x9700] =	vst v63  }
0x6b: {  	s20 =	sshrl.u32 s31, $0x3;
	s30 =	sadd.s32 s2, s17;
	s31 =	spop (v2sf)  }
0x6c: {  	[hbm4b:s30+s3] =	stream.linear.scatter [tilespmem:s31], [sflag:$0x1], $0x700, $0x38;
	[tilespmem:$0x9700] =	vst v63  }
0x6d: {  	s26 =	sadd.s32 $0x5400, s13;
	s21 =	sadd.s32 s2, s19;
	s23 =	spop (v2sf)  }
0x6e: {  	[hbm4b:s21+s3] =	stream.linear.scatter [tilespmem:s23], [sflag:$0x1], $0x700, $0x38;
	[tilespmem:$0x9700] =	vst v63  }
0x6f: {  	s18 =	sshrl.u32 s26, $0x3;
	s24 =	sadd.s32 s2, s16;
	s26 =	spop (v2sf)  }
0x70: {  	[hbm4b:s24+s3] =	stream.linear.scatter [tilespmem:s26], [sflag:$0x1], $0x700, $0x38;
	[tilespmem:$0x9700] =	vst v63  }
.Ltmp0:
0x71: {  	s22 =	sadd.s32 $0x5B00, s13;
	s13 =	sadd.s32 $0x6900, s13;
	(pc) =	sbr.rel @p0 .LBB2_2-.Ltmp0, $4  }
0x72: {  	s25 =	sshrl.u32 s22, $0x3;
	s28 =	sadd.s32 s2, s20;
	s29 =	spop (v2sf)  }
0x73: {  	(v2sf) =	vpush v0, $0xD;
	[hbm4b:s28+s3] =	stream.linear.scatter [tilespmem:s29], [sflag:$0x1], $0x700, $0x38;
	[tilespmem:$0x9700] =	vst v63  }
0x74: {  	(v2sf) =	vpush v0, $0xE;
	s15 =	sadd.s32 s2, s25;
	s30 =	sadd.s32 s2, s18;
	s31 =	spop (v2sf)  }
0x75: {  	(v2sf) =	vpush v0, $0xF;
	[hbm4b:s30+s3] =	stream.linear.scatter [tilespmem:s31], [sflag:$0x1], $0x700, $0x38;
	[tilespmem:$0x9700] =	vst v63  }
0x76: {  	_ =	sdelay $0xb  }
0x77: {  	s11 =	spop (v2sf)  }
0x78: {  	[hbm4b:s15+s3] =	stream.linear.scatter [tilespmem:s11], [sflag:$0x1], $0x700, $0x38;
	[tilespmem:$0x9700] =	vst v63  }
0x79: {  	s29 =	sshrl.u32 s13, $0x3;
	s12 =	sadd.s32 s2, s14;
	s30 =	spop (v2sf)  }
0x7a: {  	[hbm4b:s12+s3] =	stream.linear.scatter [tilespmem:s30], [sflag:$0x1], $0x700, $0x38;
	[tilespmem:$0x9700] =	vst v63  }
0x7b: {  	s11 =	sadd.s32 s2, s29;
	s31 =	spop (v2sf)  }
0x7c: {  	[hbm4b:s11+s3] =	stream.linear.scatter [tilespmem:s31], [sflag:$0x1], $0x700, $0x38;
	[tilespmem:$0x9700] =	vst v63  }
0x7d: {  	_ =	swait.ge [sflag:s4], $0x700  }
0x7e: {  	s11 =	simm.s32 $0x3FF;
	[sflag:s4] =	ssyncset.done $0x0  }
.LBB2_4:
0x7f: {  	p0 =	sne.s32 s11, $0x1;
	s11 =	sadd.s32 $0xFFFFFFFF, s11;
	[sflag:s4] =	ssyncadd.s32 $0xFFFFF900  }
.Ltmp1:
0x80: {  	(pc) =	sbr.rel @p0 .LBB2_4-.Ltmp1, $3  }
0x81: {  	_ =	sdelay $0x1  }
0x82: {  	_ =	swait.ge [sflag:s4], $0x700  }
0x83: {  	[sflag:s4] =	ssyncset.done $0x0  }
0x84: {  	s10 =	sadd.s32 $0x1, s10  }
0x85: {  	p0 =	sne.s32 s10, s7  }
.Ltmp2:
0x86: {  	_ = 	snop;
	(pc) =	sbr.rel @p0 .LBB2_1-.Ltmp2, $2  }
0x87: {  	_ =	sdelay $0x2  }
0x88: {  	[sflag:s4] =	ssyncadd.s32 $0xFFFFF900  }
0x89: {  	_ =	sfence.sel $0x180000  }
0x8a: {  	[bflag:$0x0] =	sbarrier.arrive $0xFFFF  }
0x8b: {  	p0 =	sne.s32 s0, $0x0;
	_ =	strace $0x90000047  }
0x8c: {  	s0 =	sadd.s32 @!p0 $0x100000, s1;
	[bflag:$0x2] =	sbarrier.arrive $0xFFFF  }
0x8d: {  	[sflag:s0] =	ssyncadd.tile.s32 @!p0 $0x1;
	_ =	shalt  }
.Lfunc_end2:
_tile_overlayer_lowered:
.L_overlay_start_2:
0x8e: {  	(tag) =	ssettag $0x2  }
0x8f: {  	s0 =	rddreg [dreg:$0x0];
	s2 =	stileid.u32  }
0x90: {  	s1 =	rddreg [dreg:$0x1];
	p0 =	sne.s32 s2, $0x0  }
0x91: {  	s3 =	rddreg [dreg:$0x2];
	[bflag:$0x3] =	sbarrier.arrive $0xFFFF;
	s2 =	simm.s32 @!p0 $0x1C02  }
0x92: {  	[timem:s3], [sflag:s2] =	dma.local @!p0 [hbm:s0], s1  }
0x93: {  	s0 =	simm.s32 @!p0 $0x2  }
0x94: {  	_ =	swait.ge @!p0 [sflag:s0], s1  }
0x95: {  	s1 =	ssub.s32 @!p0 $0x0, s1;
	[sflag:s0] =	ssyncset.done @!p0 $0x0  }
0x96: {  	[sflag:s0] =	ssyncadd.s32 @!p0 s1  }
0x97: {  	[bflag:$0x3] =	sbarrier.arrive $0xFFFF  }
0x98: {  	_ =	shalt  }

</sc_bundles>
